<compile_context>
chip_gen: v7x
topology: tpu7x:2x2x1
jax: 0.10.2.dev20260603
libtpu: 0.0.44.dev20260713+nightly
codegen_flags: <defaults>
</compile_context>

<pallas_src>
import functools

import jax
import jax.numpy as jnp
from jax import lax
from jax.experimental import pallas as pl
from jax.experimental.pallas import tpu as pltpu
from jax.experimental.pallas import tpu_sc as plsc

_B, _H, _W = 16, 512, 512
_CARD = 50
_N = _B * _CARD * 2
_PER_TILE = 64
_ACTIVE = _N // _PER_TILE
_LANES = 16
_LR = 128


def _sc_gather(xlr, packed):
    mesh = plsc.VectorSubcoreMesh(core_axis_name="c", subcore_axis_name="s")
    info = plsc.get_sparse_core_info()
    num_cores = info.num_cores

    @functools.partial(
        pl.kernel,
        mesh=mesh,
        out_type=jax.ShapeDtypeStruct((_N,), jnp.float32),
        scratch_types=[
            pltpu.VMEM((_PER_TILE,), jnp.int32),
            pltpu.VMEM((_PER_TILE,), jnp.int32),
            pltpu.VMEM((_PER_TILE,), jnp.int32),
            pltpu.VMEM((_PER_TILE, _LR), jnp.float32),
            pltpu.VMEM((_PER_TILE,), jnp.float32),
            pltpu.VMEM_SHARED((16 * _PER_TILE * _LR,), jnp.float32),
            pltpu.SemaphoreType.DMA,
            pltpu.SemaphoreType.DMA,
        ],
    )
    def body(x_hbm, p_hbm, out_hbm,
             p_v, ridx_v, eidx_v, lr_v, vals_v, stage_sp, sem, wsem):
        wid = lax.axis_index("s") * num_cores + lax.axis_index("c")

        sub = lax.axis_index("s")

        @pl.when(wid < _ACTIVE)
        def _():
            base = wid * _PER_TILE
            sbase = sub * jnp.int32(_PER_TILE * _LR)
            pltpu.sync_copy(p_hbm.at[pl.ds(base, _PER_TILE)], p_v)
            lanes = lax.iota(jnp.int32, _LANES)
            for g in range(_PER_TILE // _LANES):
                s = pl.ds(g * _LANES, _LANES)
                w = p_v[s]
                r = w >> 10
                c = (w >> 1) & jnp.int32(_W - 1)
                ridx_v[s] = ((r >> 3) * 4 + (c >> 7)) * 8 + (r & 7)
                j = jnp.int32(g * _LANES) + lanes
                eidx_v[s] = sbase + j * _LR + (c & 127)
            pltpu.async_copy(x_hbm.at[ridx_v], lr_v, sem).wait()

            def _wr(j, carry):
                off = pl.multiple_of(sbase + j * _LR, _LR)
                pltpu.async_copy(lr_v.at[j], stage_sp.at[pl.ds(off, _LR)],
                                 wsem)
                return carry

            lax.fori_loop(0, _PER_TILE, _wr, 0)

            def _dr(j, carry):
                off = pl.multiple_of(sbase + j * _LR, _LR)
                pltpu.make_async_copy(
                    lr_v.at[j], stage_sp.at[pl.ds(off, _LR)], wsem
                ).wait()
                return carry

            lax.fori_loop(0, _PER_TILE, _dr, 0)

            pltpu.async_copy(stage_sp.at[eidx_v], vals_v, sem).wait()
            for g in range(_PER_TILE // _LANES):
                s = pl.ds(g * _LANES, _LANES)
                vals_v[s] = jnp.where((p_v[s] & 1) != 0, jnp.float32(0.0),
                                      vals_v[s])
            pltpu.sync_copy(vals_v, out_hbm.at[pl.ds(base, _PER_TILE)])

    return body(xlr, packed)


def kernel(x, ids0, ids1, ids_mask):
    xlr = (
        x.reshape(1024, 8, 4, 128).transpose(0, 2, 1, 3).reshape(32768, 128)
    )
    packed = (
        (ids0 << 10) | (ids1 << 1) | ids_mask.astype(jnp.int32)
    ).reshape(_N)
    flat = _sc_gather(xlr, packed)
    return flat.reshape(_B, _CARD, 2)

# --- scband reference (transcript-rebuilt; emitter-appended) ---
"""Pipeline reference for scband-cubical-layer-7619271983760 (READ-ONLY COPY).

The authoritative reference and input builder live on the scoring server;
editing this copy changes nothing except your own understanding.
"""

import jax, jax.numpy as jnp
import numpy as np

# CubicalLayer: the original torch module calls an external, non-differentiable CPU
# function `Cubical(x_k, dim, card)` (gudhi cubical persistence) per batch element,
# which returns integer indices of critical cells (with -1 padding). The trainable
# computation is purely the index arithmetic + gather + masked_fill + reshape.
# Here the critical-cell indices and the padding mask are materialized in
# setup_inputs() as integer/bool constants (they are data-dependent but
# non-differentiable), and reference() reproduces the forward math exactly.

B, H, W = 16, 512, 512
CARD = 50
NUM_DATA_DIMS = 2  # x is [B, H, W]


def setup_inputs(seed: int = 0) -> dict:
    key = jax.random.key(seed)
    k1, k2, k3, k4 = jax.random.split(key, 4)
    x = jax.random.normal(k1, (B, H, W), dtype=jnp.float32)
    N = B * CARD * 2  # total critical-cell rows after concatenating over the batch
    # per-sample row indices in [0, H), then offset by k*H exactly as
    # `ids_k[:, 0] = ids_k[:, 0] + k * first_data_dim_size` in the torch forward
    ids_row_local = jax.random.randint(k2, (B, CARD * 2), 0, H, dtype=jnp.int32)
    offsets = (jnp.arange(B, dtype=jnp.int32) * H)[:, None]
    ids0 = (ids_row_local + offsets).reshape(N, 1)
    ids1 = jax.random.randint(k3, (N, 1), 0, W, dtype=jnp.int32)
    # mask marks rows whose Cubical indices were -1 padding (~5% of rows)
    mask = jax.random.randint(k4, (N, 1), 0, 20, dtype=jnp.int32) == 0
    return {"x": x, "ids0": ids0, "ids1": ids1, "ids_mask": mask}


def reference(x, ids0, ids1, ids_mask):
    batch_size = x.shape[0]
    # x = x.reshape((-1, *x.shape[2:]))
    x_flat = x.reshape(-1, x.shape[2])  # (B*H, W)
    # dgm = x[ids]  with ids a tuple of two (N,1) index columns -> shape (N,1)
    dgm = x_flat[ids0, ids1]
    # dgm = torch.masked_fill(dgm, mask=ids_mask, value=0.0)
    dgm = jnp.where(ids_mask, jnp.float32(0.0), dgm)
    # dgm = dgm.reshape(batch_size, card, 2)
    return dgm.reshape(batch_size, CARD, 2)

if __name__ == "__main__":
    import jax
    _d = setup_inputs()
    print(jax.jit(kernel)(*tuple(_d.values())))

</pallas_src>

<mosaic_0001>
#map = affine_map<(d0, d1) -> (0, 0)>
#map1 = affine_map<(d0, d1) -> (0)>
module attributes {stable_mosaic.version = 14 : i64} {
  func.func @body(%arg0: i32, %arg1: i32, %arg2: memref<32768x128xf32, #tpu.memory_space<hbm>>, %arg3: memref<1600xi32, #tpu.memory_space<hbm>>, %arg4: memref<1600xf32, #tpu.memory_space<hbm>>, %arg5: memref<64xi32, #tpu.memory_space<vmem>>, %arg6: memref<64xi32, #tpu.memory_space<vmem>>, %arg7: memref<64xi32, #tpu.memory_space<vmem>>, %arg8: memref<64x128xf32, #tpu.memory_space<vmem>>, %arg9: memref<64xf32, #tpu.memory_space<vmem>>, %arg10: memref<131072xf32, #tpu.memory_space<vmem_shared>>, %arg11: memref<!tpu.dma_semaphore, #tpu.memory_space<semaphore_mem>>, %arg12: memref<!tpu.dma_semaphore, #tpu.memory_space<semaphore_mem>>) attributes {dimension_semantics = [#tpu.dimension_semantics<core_parallel>, #tpu.dimension_semantics<subcore_parallel>], iteration_bounds = array<i64: 2, 16>, scalar_prefetch = 0 : i64, scratch_operands = 8 : i64, tpu.core_type = #tpu.core_type<sc_vector_subcore>, window_params = [{transform_indices = #map}, {transform_indices = #map1}, {transform_indices = #map1}]} {
    %mul3A = arith.constant 2 : i32
    %mul3A_0 = arith.muli %arg1, %mul3A : i32
    %add3A = arith.addi %mul3A_0, %arg0 : i32
    %lt3A = arith.constant 25 : i32
    %lt3A_1 = arith.cmpi slt, %add3A, %lt3A : i32
    %convert_element_type3A = arith.extui %lt3A_1 : i1 to i32
    %cond3A = arith.constant 0 : i32
    %cond3A_2 = arith.cmpi ne, %convert_element_type3A, %cond3A : i32
    scf.if %cond3A_2 {
      %mul3A_3 = arith.constant 64 : i32
      %mul3A_4 = arith.muli %add3A, %mul3A_3 : i32
      %mul3A_5 = arith.constant 8192 : i32
      %mul3A_6 = arith.muli %arg1, %mul3A_5 : i32
      "tpu.region"() ({
        %run_scoped3A = tpu.sem_alloc : memref<!tpu.dma_semaphore, #tpu.memory_space<semaphore_mem>>
        %dma_start3A_290 = tpu.memref_slice %arg3[%mul3A_4] : memref<1600xi32, #tpu.memory_space<hbm>> -> memref<64xi32, #tpu.memory_space<hbm>>
        %dma_start3A_291 = tpu.memref_slice %arg3[%mul3A_4] : memref<1600xi32, #tpu.memory_space<hbm>> -> memref<64xi32, #tpu.memory_space<hbm>>
        tpu.enqueue_dma source(%dma_start3A_291 : memref<64xi32, #tpu.memory_space<hbm>>) target(%arg5 : memref<64xi32, #tpu.memory_space<vmem>>) target_semaphore(%run_scoped3A : memref<!tpu.dma_semaphore, #tpu.memory_space<semaphore_mem>>)
        %dma_wait3A_292 = tpu.memref_slice %arg3[%mul3A_4] : memref<1600xi32, #tpu.memory_space<hbm>> -> memref<64xi32, #tpu.memory_space<hbm>>
        %dma_wait3A_293 = tpu.memref_slice %arg3[%mul3A_4] : memref<1600xi32, #tpu.memory_space<hbm>> -> memref<64xi32, #tpu.memory_space<hbm>>
        tpu.wait_dma2 semaphore(%run_scoped3A : memref<!tpu.dma_semaphore, #tpu.memory_space<semaphore_mem>>) src(%dma_wait3A_293 : memref<64xi32, #tpu.memory_space<hbm>>) dst(%arg5 : memref<64xi32, #tpu.memory_space<vmem>>)
        tpu.yield
      }) : () -> ()
      %iota3A = tpu.iota {dimensions = array<i32: 0>} : vector<16xi32>
      %get3A = arith.constant 0 : index
      %get3A_7 = tpu.vector_load %arg5[%get3A] {strides = array<i32>} : memref<64xi32, #tpu.memory_space<vmem>>, vector<16xi32>,
      %get3A_8 = vector.shape_cast %get3A_7 : vector<16xi32> to vector<16xi32>
      %shift_right_arithmetic3A = arith.constant 10 : i32
      %shift_right_arithmetic3A_9 = vector.broadcast %shift_right_arithmetic3A : i32 to vector<16xi32>
      %shift_right_arithmetic3A_10 = arith.shrsi %get3A_8, %shift_right_arithmetic3A_9 : vector<16xi32>
      %shift_right_arithmetic3A_11 = arith.constant 1 : i32
      %shift_right_arithmetic3A_12 = vector.broadcast %shift_right_arithmetic3A_11 : i32 to vector<16xi32>
      %shift_right_arithmetic3A_13 = arith.shrsi %get3A_8, %shift_right_arithmetic3A_12 : vector<16xi32>
      %and3A = arith.constant 511 : i32
      %and3A_14 = vector.broadcast %and3A : i32 to vector<16xi32>
      %and3A_15 = arith.andi %shift_right_arithmetic3A_13, %and3A_14 : vector<16xi32>
      %shift_right_arithmetic3A_16 = arith.constant 3 : i32
      %shift_right_arithmetic3A_17 = vector.broadcast %shift_right_arithmetic3A_16 : i32 to vector<16xi32>
      %shift_right_arithmetic3A_18 = arith.shrsi %shift_right_arithmetic3A_10, %shift_right_arithmetic3A_17 : vector<16xi32>
      %mul3A_19 = arith.constant 4 : i32
      %mul3A_20 = vector.broadcast %mul3A_19 : i32 to vector<16xi32>
      %mul3A_21 = arith.muli %shift_right_arithmetic3A_18, %mul3A_20 : vector<16xi32>
      %shift_right_arithmetic3A_22 = arith.constant 7 : i32
      %shift_right_arithmetic3A_23 = vector.broadcast %shift_right_arithmetic3A_22 : i32 to vector<16xi32>
      %shift_right_arithmetic3A_24 = arith.shrsi %and3A_15, %shift_right_arithmetic3A_23 : vector<16xi32>
      %add3A_25 = arith.addi %mul3A_21, %shift_right_arithmetic3A_24 : vector<16xi32>
      %mul3A_26 = arith.constant 8 : i32
      %mul3A_27 = vector.broadcast %mul3A_26 : i32 to vector<16xi32>
      %mul3A_28 = arith.muli %add3A_25, %mul3A_27 : vector<16xi32>
      %and3A_29 = arith.constant 7 : i32
      %and3A_30 = vector.broadcast %and3A_29 : i32 to vector<16xi32>
      %and3A_31 = arith.andi %shift_right_arithmetic3A_10, %and3A_30 : vector<16xi32>
      %add3A_32 = arith.addi %mul3A_28, %and3A_31 : vector<16xi32>
      %swap3A = arith.constant 0 : index
      %swap3A_33 = tpu.vector_load %arg6[%swap3A] {strides = array<i32>} : memref<64xi32, #tpu.memory_space<vmem>>, vector<16xi32>,
      %swap3A_34 = vector.shape_cast %swap3A_33 : vector<16xi32> to vector<16xi32>
      %swap3A_35 = vector.shape_cast %add3A_32 : vector<16xi32> to vector<16xi32>
      tpu.vector_store %arg6[%swap3A], %swap3A_35 {strides = array<i32>} : memref<64xi32, #tpu.memory_space<vmem>>, vector<16xi32>,
      %add3A_36 = arith.constant 0 : i32
      %add3A_37 = vector.broadcast %add3A_36 : i32 to vector<16xi32>
      %add3A_38 = arith.addi %add3A_37, %iota3A : vector<16xi32>
      %mul3A_39 = arith.constant 128 : i32
      %mul3A_40 = vector.broadcast %mul3A_39 : i32 to vector<16xi32>
      %mul3A_41 = arith.muli %add3A_38, %mul3A_40 : vector<16xi32>
      %add3A_42 = vector.broadcast %mul3A_6 : i32 to vector<16xi32>
      %add3A_43 = arith.addi %add3A_42, %mul3A_41 : vector<16xi32>
      %and3A_44 = arith.constant 127 : i32
      %and3A_45 = vector.broadcast %and3A_44 : i32 to vector<16xi32>
      %and3A_46 = arith.andi %and3A_15, %and3A_45 : vector<16xi32>
      %add3A_47 = arith.addi %add3A_43, %and3A_46 : vector<16xi32>
      %swap3A_48 = arith.constant 0 : index
      %swap3A_49 = tpu.vector_load %arg7[%swap3A_48] {strides = array<i32>} : memref<64xi32, #tpu.memory_space<vmem>>, vector<16xi32>,
      %swap3A_50 = vector.shape_cast %swap3A_49 : vector<16xi32> to vector<16xi32>
      %swap3A_51 = vector.shape_cast %add3A_47 : vector<16xi32> to vector<16xi32>
      tpu.vector_store %arg7[%swap3A_48], %swap3A_51 {strides = array<i32>} : memref<64xi32, #tpu.memory_space<vmem>>, vector<16xi32>,
      %get3A_52 = arith.constant 16 : index
      %get3A_53 = tpu.vector_load %arg5[%get3A_52] {strides = array<i32>} : memref<64xi32, #tpu.memory_space<vmem>>, vector<16xi32>,
      %get3A_54 = vector.shape_cast %get3A_53 : vector<16xi32> to vector<16xi32>
      %shift_right_arithmetic3A_55 = arith.constant 10 : i32
      %shift_right_arithmetic3A_56 = vector.broadcast %shift_right_arithmetic3A_55 : i32 to vector<16xi32>
      %shift_right_arithmetic3A_57 = arith.shrsi %get3A_54, %shift_right_arithmetic3A_56 : vector<16xi32>
      %shift_right_arithmetic3A_58 = arith.constant 1 : i32
      %shift_right_arithmetic3A_59 = vector.broadcast %shift_right_arithmetic3A_58 : i32 to vector<16xi32>
      %shift_right_arithmetic3A_60 = arith.shrsi %get3A_54, %shift_right_arithmetic3A_59 : vector<16xi32>
      %and3A_61 = arith.constant 511 : i32
      %and3A_62 = vector.broadcast %and3A_61 : i32 to vector<16xi32>
      %and3A_63 = arith.andi %shift_right_arithmetic3A_60, %and3A_62 : vector<16xi32>
      %shift_right_arithmetic3A_64 = arith.constant 3 : i32
      %shift_right_arithmetic3A_65 = vector.broadcast %shift_right_arithmetic3A_64 : i32 to vector<16xi32>
      %shift_right_arithmetic3A_66 = arith.shrsi %shift_right_arithmetic3A_57, %shift_right_arithmetic3A_65 : vector<16xi32>
      %mul3A_67 = arith.constant 4 : i32
      %mul3A_68 = vector.broadcast %mul3A_67 : i32 to vector<16xi32>
      %mul3A_69 = arith.muli %shift_right_arithmetic3A_66, %mul3A_68 : vector<16xi32>
      %shift_right_arithmetic3A_70 = arith.constant 7 : i32
      %shift_right_arithmetic3A_71 = vector.broadcast %shift_right_arithmetic3A_70 : i32 to vector<16xi32>
      %shift_right_arithmetic3A_72 = arith.shrsi %and3A_63, %shift_right_arithmetic3A_71 : vector<16xi32>
      %add3A_73 = arith.addi %mul3A_69, %shift_right_arithmetic3A_72 : vector<16xi32>
      %mul3A_74 = arith.constant 8 : i32
      %mul3A_75 = vector.broadcast %mul3A_74 : i32 to vector<16xi32>
      %mul3A_76 = arith.muli %add3A_73, %mul3A_75 : vector<16xi32>
      %and3A_77 = arith.constant 7 : i32
      %and3A_78 = vector.broadcast %and3A_77 : i32 to vector<16xi32>
      %and3A_79 = arith.andi %shift_right_arithmetic3A_57, %and3A_78 : vector<16xi32>
      %add3A_80 = arith.addi %mul3A_76, %and3A_79 : vector<16xi32>
      %swap3A_81 = arith.constant 16 : index
      %swap3A_82 = tpu.vector_load %arg6[%swap3A_81] {strides = array<i32>} : memref<64xi32, #tpu.memory_space<vmem>>, vector<16xi32>,
      %swap3A_83 = vector.shape_cast %swap3A_82 : vector<16xi32> to vector<16xi32>
      %swap3A_84 = vector.shape_cast %add3A_80 : vector<16xi32> to vector<16xi32>
      tpu.vector_store %arg6[%swap3A_81], %swap3A_84 {strides = array<i32>} : memref<64xi32, #tpu.memory_space<vmem>>, vector<16xi32>,
      %add3A_85 = arith.constant 16 : i32
      %add3A_86 = vector.broadcast %add3A_85 : i32 to vector<16xi32>
      %add3A_87 = arith.addi %add3A_86, %iota3A : vector<16xi32>
      %mul3A_88 = arith.constant 128 : i32
      %mul3A_89 = vector.broadcast %mul3A_88 : i32 to vector<16xi32>
      %mul3A_90 = arith.muli %add3A_87, %mul3A_89 : vector<16xi32>
      %add3A_91 = vector.broadcast %mul3A_6 : i32 to vector<16xi32>
      %add3A_92 = arith.addi %add3A_91, %mul3A_90 : vector<16xi32>
      %and3A_93 = arith.constant 127 : i32
      %and3A_94 = vector.broadcast %and3A_93 : i32 to vector<16xi32>
      %and3A_95 = arith.andi %and3A_63, %and3A_94 : vector<16xi32>
      %add3A_96 = arith.addi %add3A_92, %and3A_95 : vector<16xi32>
      %swap3A_97 = arith.constant 16 : index
      %swap3A_98 = tpu.vector_load %arg7[%swap3A_97] {strides = array<i32>} : memref<64xi32, #tpu.memory_space<vmem>>, vector<16xi32>,
      %swap3A_99 = vector.shape_cast %swap3A_98 : vector<16xi32> to vector<16xi32>
      %swap3A_100 = vector.shape_cast %add3A_96 : vector<16xi32> to vector<16xi32>
      tpu.vector_store %arg7[%swap3A_97], %swap3A_100 {strides = array<i32>} : memref<64xi32, #tpu.memory_space<vmem>>, vector<16xi32>,
      %get3A_101 = arith.constant 32 : index
      %get3A_102 = tpu.vector_load %arg5[%get3A_101] {strides = array<i32>} : memref<64xi32, #tpu.memory_space<vmem>>, vector<16xi32>,
      %get3A_103 = vector.shape_cast %get3A_102 : vector<16xi32> to vector<16xi32>
      %shift_right_arithmetic3A_104 = arith.constant 10 : i32
      %shift_right_arithmetic3A_105 = vector.broadcast %shift_right_arithmetic3A_104 : i32 to vector<16xi32>
      %shift_right_arithmetic3A_106 = arith.shrsi %get3A_103, %shift_right_arithmetic3A_105 : vector<16xi32>
      %shift_right_arithmetic3A_107 = arith.constant 1 : i32
      %shift_right_arithmetic3A_108 = vector.broadcast %shift_right_arithmetic3A_107 : i32 to vector<16xi32>
      %shift_right_arithmetic3A_109 = arith.shrsi %get3A_103, %shift_right_arithmetic3A_108 : vector<16xi32>
      %and3A_110 = arith.constant 511 : i32
      %and3A_111 = vector.broadcast %and3A_110 : i32 to vector<16xi32>
      %and3A_112 = arith.andi %shift_right_arithmetic3A_109, %and3A_111 : vector<16xi32>
      %shift_right_arithmetic3A_113 = arith.constant 3 : i32
      %shift_right_arithmetic3A_114 = vector.broadcast %shift_right_arithmetic3A_113 : i32 to vector<16xi32>
      %shift_right_arithmetic3A_115 = arith.shrsi %shift_right_arithmetic3A_106, %shift_right_arithmetic3A_114 : vector<16xi32>
      %mul3A_116 = arith.constant 4 : i32
      %mul3A_117 = vector.broadcast %mul3A_116 : i32 to vector<16xi32>
      %mul3A_118 = arith.muli %shift_right_arithmetic3A_115, %mul3A_117 : vector<16xi32>
      %shift_right_arithmetic3A_119 = arith.constant 7 : i32
      %shift_right_arithmetic3A_120 = vector.broadcast %shift_right_arithmetic3A_119 : i32 to vector<16xi32>
      %shift_right_arithmetic3A_121 = arith.shrsi %and3A_112, %shift_right_arithmetic3A_120 : vector<16xi32>
      %add3A_122 = arith.addi %mul3A_118, %shift_right_arithmetic3A_121 : vector<16xi32>
      %mul3A_123 = arith.constant 8 : i32
      %mul3A_124 = vector.broadcast %mul3A_123 : i32 to vector<16xi32>
      %mul3A_125 = arith.muli %add3A_122, %mul3A_124 : vector<16xi32>
      %and3A_126 = arith.constant 7 : i32
      %and3A_127 = vector.broadcast %and3A_126 : i32 to vector<16xi32>
      %and3A_128 = arith.andi %shift_right_arithmetic3A_106, %and3A_127 : vector<16xi32>
      %add3A_129 = arith.addi %mul3A_125, %and3A_128 : vector<16xi32>
      %swap3A_130 = arith.constant 32 : index
      %swap3A_131 = tpu.vector_load %arg6[%swap3A_130] {strides = array<i32>} : memref<64xi32, #tpu.memory_space<vmem>>, vector<16xi32>,
      %swap3A_132 = vector.shape_cast %swap3A_131 : vector<16xi32> to vector<16xi32>
      %swap3A_133 = vector.shape_cast %add3A_129 : vector<16xi32> to vector<16xi32>
      tpu.vector_store %arg6[%swap3A_130], %swap3A_133 {strides = array<i32>} : memref<64xi32, #tpu.memory_space<vmem>>, vector<16xi32>,
      %add3A_134 = arith.constant 32 : i32
      %add3A_135 = vector.broadcast %add3A_134 : i32 to vector<16xi32>
      %add3A_136 = arith.addi %add3A_135, %iota3A : vector<16xi32>
      %mul3A_137 = arith.constant 128 : i32
      %mul3A_138 = vector.broadcast %mul3A_137 : i32 to vector<16xi32>
      %mul3A_139 = arith.muli %add3A_136, %mul3A_138 : vector<16xi32>
      %add3A_140 = vector.broadcast %mul3A_6 : i32 to vector<16xi32>
      %add3A_141 = arith.addi %add3A_140, %mul3A_139 : vector<16xi32>
      %and3A_142 = arith.constant 127 : i32
      %and3A_143 = vector.broadcast %and3A_142 : i32 to vector<16xi32>
      %and3A_144 = arith.andi %and3A_112, %and3A_143 : vector<16xi32>
      %add3A_145 = arith.addi %add3A_141, %and3A_144 : vector<16xi32>
      %swap3A_146 = arith.constant 32 : index
      %swap3A_147 = tpu.vector_load %arg7[%swap3A_146] {strides = array<i32>} : memref<64xi32, #tpu.memory_space<vmem>>, vector<16xi32>,
      %swap3A_148 = vector.shape_cast %swap3A_147 : vector<16xi32> to vector<16xi32>
      %swap3A_149 = vector.shape_cast %add3A_145 : vector<16xi32> to vector<16xi32>
      tpu.vector_store %arg7[%swap3A_146], %swap3A_149 {strides = array<i32>} : memref<64xi32, #tpu.memory_space<vmem>>, vector<16xi32>,
      %get3A_150 = arith.constant 48 : index
      %get3A_151 = tpu.vector_load %arg5[%get3A_150] {strides = array<i32>} : memref<64xi32, #tpu.memory_space<vmem>>, vector<16xi32>,
      %get3A_152 = vector.shape_cast %get3A_151 : vector<16xi32> to vector<16xi32>
      %shift_right_arithmetic3A_153 = arith.constant 10 : i32
      %shift_right_arithmetic3A_154 = vector.broadcast %shift_right_arithmetic3A_153 : i32 to vector<16xi32>
      %shift_right_arithmetic3A_155 = arith.shrsi %get3A_152, %shift_right_arithmetic3A_154 : vector<16xi32>
      %shift_right_arithmetic3A_156 = arith.constant 1 : i32
      %shift_right_arithmetic3A_157 = vector.broadcast %shift_right_arithmetic3A_156 : i32 to vector<16xi32>
      %shift_right_arithmetic3A_158 = arith.shrsi %get3A_152, %shift_right_arithmetic3A_157 : vector<16xi32>
      %and3A_159 = arith.constant 511 : i32
      %and3A_160 = vector.broadcast %and3A_159 : i32 to vector<16xi32>
      %and3A_161 = arith.andi %shift_right_arithmetic3A_158, %and3A_160 : vector<16xi32>
      %shift_right_arithmetic3A_162 = arith.constant 3 : i32
      %shift_right_arithmetic3A_163 = vector.broadcast %shift_right_arithmetic3A_162 : i32 to vector<16xi32>
      %shift_right_arithmetic3A_164 = arith.shrsi %shift_right_arithmetic3A_155, %shift_right_arithmetic3A_163 : vector<16xi32>
      %mul3A_165 = arith.constant 4 : i32
      %mul3A_166 = vector.broadcast %mul3A_165 : i32 to vector<16xi32>
      %mul3A_167 = arith.muli %shift_right_arithmetic3A_164, %mul3A_166 : vector<16xi32>
      %shift_right_arithmetic3A_168 = arith.constant 7 : i32
      %shift_right_arithmetic3A_169 = vector.broadcast %shift_right_arithmetic3A_168 : i32 to vector<16xi32>
      %shift_right_arithmetic3A_170 = arith.shrsi %and3A_161, %shift_right_arithmetic3A_169 : vector<16xi32>
      %add3A_171 = arith.addi %mul3A_167, %shift_right_arithmetic3A_170 : vector<16xi32>
      %mul3A_172 = arith.constant 8 : i32
      %mul3A_173 = vector.broadcast %mul3A_172 : i32 to vector<16xi32>
      %mul3A_174 = arith.muli %add3A_171, %mul3A_173 : vector<16xi32>
      %and3A_175 = arith.constant 7 : i32
      %and3A_176 = vector.broadcast %and3A_175 : i32 to vector<16xi32>
      %and3A_177 = arith.andi %shift_right_arithmetic3A_155, %and3A_176 : vector<16xi32>
      %add3A_178 = arith.addi %mul3A_174, %and3A_177 : vector<16xi32>
      %swap3A_179 = arith.constant 48 : index
      %swap3A_180 = tpu.vector_load %arg6[%swap3A_179] {strides = array<i32>} : memref<64xi32, #tpu.memory_space<vmem>>, vector<16xi32>,
      %swap3A_181 = vector.shape_cast %swap3A_180 : vector<16xi32> to vector<16xi32>
      %swap3A_182 = vector.shape_cast %add3A_178 : vector<16xi32> to vector<16xi32>
      tpu.vector_store %arg6[%swap3A_179], %swap3A_182 {strides = array<i32>} : memref<64xi32, #tpu.memory_space<vmem>>, vector<16xi32>,
      %add3A_183 = arith.constant 48 : i32
      %add3A_184 = vector.broadcast %add3A_183 : i32 to vector<16xi32>
      %add3A_185 = arith.addi %add3A_184, %iota3A : vector<16xi32>
      %mul3A_186 = arith.constant 128 : i32
      %mul3A_187 = vector.broadcast %mul3A_186 : i32 to vector<16xi32>
      %mul3A_188 = arith.muli %add3A_185, %mul3A_187 : vector<16xi32>
      %add3A_189 = vector.broadcast %mul3A_6 : i32 to vector<16xi32>
      %add3A_190 = arith.addi %add3A_189, %mul3A_188 : vector<16xi32>
      %and3A_191 = arith.constant 127 : i32
      %and3A_192 = vector.broadcast %and3A_191 : i32 to vector<16xi32>
      %and3A_193 = arith.andi %and3A_161, %and3A_192 : vector<16xi32>
      %add3A_194 = arith.addi %add3A_190, %and3A_193 : vector<16xi32>
      %swap3A_195 = arith.constant 48 : index
      %swap3A_196 = tpu.vector_load %arg7[%swap3A_195] {strides = array<i32>} : memref<64xi32, #tpu.memory_space<vmem>>, vector<16xi32>,
      %swap3A_197 = vector.shape_cast %swap3A_196 : vector<16xi32> to vector<16xi32>
      %swap3A_198 = vector.shape_cast %add3A_194 : vector<16xi32> to vector<16xi32>
      tpu.vector_store %arg7[%swap3A_195], %swap3A_198 {strides = array<i32>} : memref<64xi32, #tpu.memory_space<vmem>>, vector<16xi32>,
      %dma_start3A = arith.constant 0 : i32
      %dma_start3A_199 = arith.constant 0 : i32
      %dma_start3A_200 = tpu.memref_slice %arg2[%dma_start3A, %dma_start3A_199] : memref<32768x128xf32, #tpu.memory_space<hbm>> -> memref<32768x128xf32, #tpu.memory_space<hbm>>
      tpu.enqueue_indirect_dma source(%dma_start3A_200 : memref<32768x128xf32, #tpu.memory_space<hbm>>) target(%arg8 : memref<64x128xf32, #tpu.memory_space<vmem>>) offsets(%arg6 : memref<64xi32, #tpu.memory_space<vmem>>) semaphore(%arg11 : memref<!tpu.dma_semaphore, #tpu.memory_space<semaphore_mem>>)
      %dma_wait3A = arith.constant 0 : i32
      %dma_wait3A_201 = arith.constant 0 : i32
      %dma_wait3A_202 = tpu.memref_slice %arg2[%dma_wait3A, %dma_wait3A_201] : memref<32768x128xf32, #tpu.memory_space<hbm>> -> memref<32768x128xf32, #tpu.memory_space<hbm>>
      tpu.wait_indirect_dma semaphore(%arg11 : memref<!tpu.dma_semaphore, #tpu.memory_space<semaphore_mem>>) src(%dma_wait3A_202 : memref<32768x128xf32, #tpu.memory_space<hbm>>) dst(%arg8 : memref<64x128xf32, #tpu.memory_space<vmem>>)
      %scan3A = arith.constant 0 : i32
      %scan3A_203 = arith.constant 0 : i32
      %scan3A_204 = arith.constant 64 : i32
      %scan3A_205 = arith.addi %scan3A_203, %scan3A_204 : i32
      %scan3A_206 = arith.constant 1 : i32
      scf.for %scan3A_290 = %scan3A_203 to %scan3A_205 step %scan3A_206  : i32 {
        %mul3A_291 = arith.constant 128 : i32
        %mul3A_292 = arith.muli %scan3A_290, %mul3A_291 : i32
        %add3A_293 = arith.addi %mul3A_6, %mul3A_292 : i32
        %multiple_of3A = tpu.assume_multiple %add3A_293, 128 : i32
        %dma_start3A_294 = arith.constant 0 : i32
        %dma_start3A_295 = tpu.memref_slice %arg8[%scan3A_290, %dma_start3A_294] : memref<64x128xf32, #tpu.memory_space<vmem>> -> memref<1x128xf32, #tpu.memory_space<vmem>>
        %dma_start3A_296 = tpu.memref_squeeze %dma_start3A_295 : memref<1x128xf32, #tpu.memory_space<vmem>> -> memref<128xf32, #tpu.memory_space<vmem>>
        %dma_start3A_297 = tpu.memref_slice %arg10[%multiple_of3A] : memref<131072xf32, #tpu.memory_space<vmem_shared>> -> memref<128xf32, #tpu.memory_space<vmem_shared>>
        %dma_start3A_298 = tpu.memref_slice %arg10[%multiple_of3A] : memref<131072xf32, #tpu.memory_space<vmem_shared>> -> memref<128xf32, #tpu.memory_space<vmem_shared>>
        %dma_start3A_299 = arith.constant 0 : i32
        %dma_start3A_300 = tpu.memref_slice %arg8[%scan3A_290, %dma_start3A_299] : memref<64x128xf32, #tpu.memory_space<vmem>> -> memref<1x128xf32, #tpu.memory_space<vmem>>
        %dma_start3A_301 = tpu.memref_squeeze %dma_start3A_300 : memref<1x128xf32, #tpu.memory_space<vmem>> -> memref<128xf32, #tpu.memory_space<vmem>>
        tpu.enqueue_dma source(%dma_start3A_301 : memref<128xf32, #tpu.memory_space<vmem>>) target(%dma_start3A_298 : memref<128xf32, #tpu.memory_space<vmem_shared>>) target_semaphore(%arg12 : memref<!tpu.dma_semaphore, #tpu.memory_space<semaphore_mem>>)
      }
      %scan3A_207 = arith.constant 64 : i32
      %scan3A_208 = arith.constant 0 : i32
      %scan3A_209 = arith.constant 0 : i32
      %scan3A_210 = arith.constant 64 : i32
      %scan3A_211 = arith.addi %scan3A_209, %scan3A_210 : i32
      %scan3A_212 = arith.constant 1 : i32
      scf.for %scan3A_290 = %scan3A_209 to %scan3A_211 step %scan3A_212  : i32 {
        %mul3A_291 = arith.constant 128 : i32
        %mul3A_292 = arith.muli %scan3A_290, %mul3A_291 : i32
        %add3A_293 = arith.addi %mul3A_6, %mul3A_292 : i32
        %multiple_of3A = tpu.assume_multiple %add3A_293, 128 : i32
        %dma_wait3A_294 = arith.constant 0 : i32
        %dma_wait3A_295 = tpu.memref_slice %arg8[%scan3A_290, %dma_wait3A_294] : memref<64x128xf32, #tpu.memory_space<vmem>> -> memref<1x128xf32, #tpu.memory_space<vmem>>
        %dma_wait3A_296 = tpu.memref_squeeze %dma_wait3A_295 : memref<1x128xf32, #tpu.memory_space<vmem>> -> memref<128xf32, #tpu.memory_space<vmem>>
        %dma_wait3A_297 = tpu.memref_slice %arg10[%multiple_of3A] : memref<131072xf32, #tpu.memory_space<vmem_shared>> -> memref<128xf32, #tpu.memory_space<vmem_shared>>
        %dma_wait3A_298 = tpu.memref_slice %arg10[%multiple_of3A] : memref<131072xf32, #tpu.memory_space<vmem_shared>> -> memref<128xf32, #tpu.memory_space<vmem_shared>>
        %dma_wait3A_299 = arith.constant 0 : i32
        %dma_wait3A_300 = tpu.memref_slice %arg8[%scan3A_290, %dma_wait3A_299] : memref<64x128xf32, #tpu.memory_space<vmem>> -> memref<1x128xf32, #tpu.memory_space<vmem>>
        %dma_wait3A_301 = tpu.memref_squeeze %dma_wait3A_300 : memref<1x128xf32, #tpu.memory_space<vmem>> -> memref<128xf32, #tpu.memory_space<vmem>>
        tpu.wait_dma2 semaphore(%arg12 : memref<!tpu.dma_semaphore, #tpu.memory_space<semaphore_mem>>) src(%dma_wait3A_301 : memref<128xf32, #tpu.memory_space<vmem>>) dst(%dma_wait3A_298 : memref<128xf32, #tpu.memory_space<vmem_shared>>)
      }
      %scan3A_213 = arith.constant 64 : i32
      %dma_start3A_214 = arith.constant 0 : i32
      %dma_start3A_215 = tpu.memref_slice %arg10[%dma_start3A_214] : memref<131072xf32, #tpu.memory_space<vmem_shared>> -> memref<131072xf32, #tpu.memory_space<vmem_shared>>
      tpu.enqueue_indirect_dma source(%dma_start3A_215 : memref<131072xf32, #tpu.memory_space<vmem_shared>>) target(%arg9 : memref<64xf32, #tpu.memory_space<vmem>>) offsets(%arg7 : memref<64xi32, #tpu.memory_space<vmem>>) semaphore(%arg11 : memref<!tpu.dma_semaphore, #tpu.memory_space<semaphore_mem>>)
      %dma_wait3A_216 = arith.constant 0 : i32
      %dma_wait3A_217 = tpu.memref_slice %arg10[%dma_wait3A_216] : memref<131072xf32, #tpu.memory_space<vmem_shared>> -> memref<131072xf32, #tpu.memory_space<vmem_shared>>
      tpu.wait_indirect_dma semaphore(%arg11 : memref<!tpu.dma_semaphore, #tpu.memory_space<semaphore_mem>>) src(%dma_wait3A_217 : memref<131072xf32, #tpu.memory_space<vmem_shared>>) dst(%arg9 : memref<64xf32, #tpu.memory_space<vmem>>)
      %get3A_218 = arith.constant 0 : index
      %get3A_219 = tpu.vector_load %arg5[%get3A_218] {strides = array<i32>} : memref<64xi32, #tpu.memory_space<vmem>>, vector<16xi32>,
      %get3A_220 = vector.shape_cast %get3A_219 : vector<16xi32> to vector<16xi32>
      %and3A_221 = arith.constant 1 : i32
      %and3A_222 = vector.broadcast %and3A_221 : i32 to vector<16xi32>
      %and3A_223 = arith.andi %get3A_220, %and3A_222 : vector<16xi32>
      %ne3A = arith.constant 0 : i32
      %ne3A_224 = vector.broadcast %ne3A : i32 to vector<16xi32>
      %ne3A_225 = arith.cmpi ne, %and3A_223, %ne3A_224 : vector<16xi32>
      %get3A_226 = arith.constant 0 : index
      %get3A_227 = tpu.vector_load %arg9[%get3A_226] {strides = array<i32>} : memref<64xf32, #tpu.memory_space<vmem>>, vector<16xf32>,
      %get3A_228 = vector.shape_cast %get3A_227 : vector<16xf32> to vector<16xf32>
      %jit3A = arith.constant 0.000000e+00 : f32
      %broadcast_in_dim3A = vector.broadcast %jit3A : f32 to vector<16xf32>
      %select_n3A = arith.select %ne3A_225, %broadcast_in_dim3A, %get3A_228 : vector<16xi1>, vector<16xf32>
      %swap3A_229 = arith.constant 0 : index
      %swap3A_230 = tpu.vector_load %arg9[%swap3A_229] {strides = array<i32>} : memref<64xf32, #tpu.memory_space<vmem>>, vector<16xf32>,
      %swap3A_231 = vector.shape_cast %swap3A_230 : vector<16xf32> to vector<16xf32>
      %swap3A_232 = vector.shape_cast %select_n3A : vector<16xf32> to vector<16xf32>
      tpu.vector_store %arg9[%swap3A_229], %swap3A_232 {strides = array<i32>} : memref<64xf32, #tpu.memory_space<vmem>>, vector<16xf32>,
      %get3A_233 = arith.constant 16 : index
      %get3A_234 = tpu.vector_load %arg5[%get3A_233] {strides = array<i32>} : memref<64xi32, #tpu.memory_space<vmem>>, vector<16xi32>,
      %get3A_235 = vector.shape_cast %get3A_234 : vector<16xi32> to vector<16xi32>
      %and3A_236 = arith.constant 1 : i32
      %and3A_237 = vector.broadcast %and3A_236 : i32 to vector<16xi32>
      %and3A_238 = arith.andi %get3A_235, %and3A_237 : vector<16xi32>
      %ne3A_239 = arith.constant 0 : i32
      %ne3A_240 = vector.broadcast %ne3A_239 : i32 to vector<16xi32>
      %ne3A_241 = arith.cmpi ne, %and3A_238, %ne3A_240 : vector<16xi32>
      %get3A_242 = arith.constant 16 : index
      %get3A_243 = tpu.vector_load %arg9[%get3A_242] {strides = array<i32>} : memref<64xf32, #tpu.memory_space<vmem>>, vector<16xf32>,
      %get3A_244 = vector.shape_cast %get3A_243 : vector<16xf32> to vector<16xf32>
      %jit3A_245 = arith.constant 0.000000e+00 : f32
      %broadcast_in_dim3A_246 = vector.broadcast %jit3A_245 : f32 to vector<16xf32>
      %select_n3A_247 = arith.select %ne3A_241, %broadcast_in_dim3A_246, %get3A_244 : vector<16xi1>, vector<16xf32>
      %swap3A_248 = arith.constant 16 : index
      %swap3A_249 = tpu.vector_load %arg9[%swap3A_248] {strides = array<i32>} : memref<64xf32, #tpu.memory_space<vmem>>, vector<16xf32>,
      %swap3A_250 = vector.shape_cast %swap3A_249 : vector<16xf32> to vector<16xf32>
      %swap3A_251 = vector.shape_cast %select_n3A_247 : vector<16xf32> to vector<16xf32>
      tpu.vector_store %arg9[%swap3A_248], %swap3A_251 {strides = array<i32>} : memref<64xf32, #tpu.memory_space<vmem>>, vector<16xf32>,
      %get3A_252 = arith.constant 32 : index
      %get3A_253 = tpu.vector_load %arg5[%get3A_252] {strides = array<i32>} : memref<64xi32, #tpu.memory_space<vmem>>, vector<16xi32>,
      %get3A_254 = vector.shape_cast %get3A_253 : vector<16xi32> to vector<16xi32>
      %and3A_255 = arith.constant 1 : i32
      %and3A_256 = vector.broadcast %and3A_255 : i32 to vector<16xi32>
      %and3A_257 = arith.andi %get3A_254, %and3A_256 : vector<16xi32>
      %ne3A_258 = arith.constant 0 : i32
      %ne3A_259 = vector.broadcast %ne3A_258 : i32 to vector<16xi32>
      %ne3A_260 = arith.cmpi ne, %and3A_257, %ne3A_259 : vector<16xi32>
      %get3A_261 = arith.constant 32 : index
      %get3A_262 = tpu.vector_load %arg9[%get3A_261] {strides = array<i32>} : memref<64xf32, #tpu.memory_space<vmem>>, vector<16xf32>,
      %get3A_263 = vector.shape_cast %get3A_262 : vector<16xf32> to vector<16xf32>
      %jit3A_264 = arith.constant 0.000000e+00 : f32
      %broadcast_in_dim3A_265 = vector.broadcast %jit3A_264 : f32 to vector<16xf32>
      %select_n3A_266 = arith.select %ne3A_260, %broadcast_in_dim3A_265, %get3A_263 : vector<16xi1>, vector<16xf32>
      %swap3A_267 = arith.constant 32 : index
      %swap3A_268 = tpu.vector_load %arg9[%swap3A_267] {strides = array<i32>} : memref<64xf32, #tpu.memory_space<vmem>>, vector<16xf32>,
      %swap3A_269 = vector.shape_cast %swap3A_268 : vector<16xf32> to vector<16xf32>
      %swap3A_270 = vector.shape_cast %select_n3A_266 : vector<16xf32> to vector<16xf32>
      tpu.vector_store %arg9[%swap3A_267], %swap3A_270 {strides = array<i32>} : memref<64xf32, #tpu.memory_space<vmem>>, vector<16xf32>,
      %get3A_271 = arith.constant 48 : index
      %get3A_272 = tpu.vector_load %arg5[%get3A_271] {strides = array<i32>} : memref<64xi32, #tpu.memory_space<vmem>>, vector<16xi32>,
      %get3A_273 = vector.shape_cast %get3A_272 : vector<16xi32> to vector<16xi32>
      %and3A_274 = arith.constant 1 : i32
      %and3A_275 = vector.broadcast %and3A_274 : i32 to vector<16xi32>
      %and3A_276 = arith.andi %get3A_273, %and3A_275 : vector<16xi32>
      %ne3A_277 = arith.constant 0 : i32
      %ne3A_278 = vector.broadcast %ne3A_277 : i32 to vector<16xi32>
      %ne3A_279 = arith.cmpi ne, %and3A_276, %ne3A_278 : vector<16xi32>
      %get3A_280 = arith.constant 48 : index
      %get3A_281 = tpu.vector_load %arg9[%get3A_280] {strides = array<i32>} : memref<64xf32, #tpu.memory_space<vmem>>, vector<16xf32>,
      %get3A_282 = vector.shape_cast %get3A_281 : vector<16xf32> to vector<16xf32>
      %jit3A_283 = arith.constant 0.000000e+00 : f32
      %broadcast_in_dim3A_284 = vector.broadcast %jit3A_283 : f32 to vector<16xf32>
      %select_n3A_285 = arith.select %ne3A_279, %broadcast_in_dim3A_284, %get3A_282 : vector<16xi1>, vector<16xf32>
      %swap3A_286 = arith.constant 48 : index
      %swap3A_287 = tpu.vector_load %arg9[%swap3A_286] {strides = array<i32>} : memref<64xf32, #tpu.memory_space<vmem>>, vector<16xf32>,
      %swap3A_288 = vector.shape_cast %swap3A_287 : vector<16xf32> to vector<16xf32>
      %swap3A_289 = vector.shape_cast %select_n3A_285 : vector<16xf32> to vector<16xf32>
      tpu.vector_store %arg9[%swap3A_286], %swap3A_289 {strides = array<i32>} : memref<64xf32, #tpu.memory_space<vmem>>, vector<16xf32>,
      "tpu.region"() ({
        %run_scoped3A = tpu.sem_alloc : memref<!tpu.dma_semaphore, #tpu.memory_space<semaphore_mem>>
        %dma_start3A_290 = tpu.memref_slice %arg4[%mul3A_4] : memref<1600xf32, #tpu.memory_space<hbm>> -> memref<64xf32, #tpu.memory_space<hbm>>
        %dma_start3A_291 = tpu.memref_slice %arg4[%mul3A_4] : memref<1600xf32, #tpu.memory_space<hbm>> -> memref<64xf32, #tpu.memory_space<hbm>>
        tpu.enqueue_dma source(%arg9 : memref<64xf32, #tpu.memory_space<vmem>>) target(%dma_start3A_291 : memref<64xf32, #tpu.memory_space<hbm>>) target_semaphore(%run_scoped3A : memref<!tpu.dma_semaphore, #tpu.memory_space<semaphore_mem>>)
        %dma_wait3A_292 = tpu.memref_slice %arg4[%mul3A_4] : memref<1600xf32, #tpu.memory_space<hbm>> -> memref<64xf32, #tpu.memory_space<hbm>>
        %dma_wait3A_293 = tpu.memref_slice %arg4[%mul3A_4] : memref<1600xf32, #tpu.memory_space<hbm>> -> memref<64xf32, #tpu.memory_space<hbm>>
        tpu.wait_dma2 semaphore(%run_scoped3A : memref<!tpu.dma_semaphore, #tpu.memory_space<semaphore_mem>>) src(%arg9 : memref<64xf32, #tpu.memory_space<vmem>>) dst(%dma_wait3A_293 : memref<64xf32, #tpu.memory_space<hbm>>)
        tpu.yield
      }) : () -> ()
    } else {
    }
    return
  }
}

</mosaic_0001>

<sc_bundles>
// kernel: kernel.3.cloned.1.call-start
scs
__scs_entry_jumppad:
0x0: {  	(pc) =	sbr.rel $0x88, $3  }
0x1: {  	(tag) =	ssettag $0x0;
	lr =	simm.s32 $0x1  }
0x2: {  	[smem:$0x3F9D] =	sst lr;
	_ =	strace $0xD0000000  }
0x3: {  	_ = 	snop  }
0x4: {  	_ = 	snop  }
0x5: {  	_ = 	snop  }
0x6: {  	_ = 	snop  }
0x7: {  	_ = 	snop  }
__scs_overlays_trampoline_lowered:
0x8: {  	[smem:$0x3FAC] =	sst s0  }
0x9: {  	[smem:$0x3FAD] =	sst s1  }
0xa: {  	[smem:$0x3FAE] =	sst s2  }
0xb: {  	[smem:$0x3FAF] =	sst s3  }
0xc: {  	[smem:$0x3FB0] =	sst s4  }
0xd: {  	[smem:$0x3FB1] =	sst s5  }
0xe: {  	[smem:$0x3FB2] =	sst s6  }
0xf: {  	[smem:$0x3FB3] =	sst s7  }
0x10: {  	[smem:$0x3FB4] =	sst s8  }
0x11: {  	[smem:$0x3FB5] =	sst s9;
	s0 =	simm.s32 @!p0 $0x0  }
0x12: {  	s1 =	sld [smem:$0x3F9B];
	s0 =	simm.s32 @p0 $0x1  }
0x13: {  	[smem:$0x3FB6] =	sst s0;
	s0 =	simm.s32 @!p1 $0x0  }
0x14: {  	s2 =	sld [smem:$0x3F9A];
	s0 =	simm.s32 @p1 $0x1  }
0x15: {  	[smem:$0x3FB7] =	sst s0;
	s0 =	simm.s32 @!p2 $0x0  }
0x16: {  	s3 =	sld [smem:$0x3FDB];
	s0 =	simm.s32 @p2 $0x1  }
0x17: {  	s4 =	simm.s32 $0x1BF5;
	[smem:$0x3FB9] =	sst s0  }
0x18: {  	s0 =	sld [smem:$0x3F9C];
	_ =	swait.ge [sflag:s4], $0x0  }
0x19: {  	s7 =	sld [smem:$0x3F9D]  }
0x1a: {  	s8 =	sadd.s32 $0xFFFFE003, lr  }
0x1b: {  	s9 =	sadd.s32 $0xFFFFFEF7, lr;
	s5 =	simm.s32 $0xFFFFFFFF;
	p2 =	slt.u32 s8, $0xFFFFF086  }
0x1c: {  	p1 =	slt.u32 s9, $0xF7A;
	s5 =	simm.s32 @!p2 $0x0  }
0x1d: {  	s5 =	simm.s32 @p1 $0x1;
	p0 =	seq.s32 s7, s2  }
0x1e: {  	s7 =	smul.u32 @!p0 $0xF7A, s2;
	p2 =	seq.s32 @!p0 s5, $0x0  }
0x1f: {  	s9 =	smul.u32 $0xF7A, s1;
	s8 =	simm.s32 @!p0 $0x1BF5;
	p2 =	por !p2, p0  }
0x20: {  	[sflag:s8] =	ssyncset.s32 @!p0 $0xFFFFF086;
	s6 =	sadd.s32 @!p0 s3, s7;
	s7 =	simm.s32 @!p0 $0x108  }
0x21: {  	s3 =	sadd.s32 s3, s9;
	s6 =	sadd.s32 @!p0 $0x88, s6;
	s7 =	simm.s32 @p2 $0x1082  }
0x22: {  	[simem:s7], [sflag:s8] =	dma.local @!p0 [hbm:s6], $0xF7A  }
0x23: {  	s9 =	sor.u32 $0xD0000000, s2;
	s6 =	simm.s32 $0x108;
	_ =	swait.ge @!p0 [sflag:s8], $0x0  }
0x24: {  	s3 =	sadd.s32 $0x88, s3;
	s6 =	simm.s32 @!p1 $0x1082;
	[sflag:s4] =	ssyncset.s32 $0xFFFFF086  }
0x25: {  	[simem:s6], [sflag:s4] =	dma.local [hbm:s3], $0xF7A  }
0x26: {  	[smem:$0x3F9D] =	sst s1;
	(tag) =	ssettag s2;
	_ =	strace s9  }
0x27: {  	s1 =	sld [smem:$0x3FAD]  }
0x28: {  	s2 =	sld [smem:$0x3FAE]  }
0x29: {  	s4 =	sld [smem:$0x3FB0]  }
0x2a: {  	p0 =	seq.s32 s5, $0x0;
	s5 =	sld [smem:$0x3FB1]  }
0x2b: {  	s6 =	sld [smem:$0x3FB2]  }
0x2c: {  	s7 =	sld [smem:$0x3FB3]  }
0x2d: {  	s3 =	simm.s32 $0x108;
	s8 =	sld [smem:$0x3FB4]  }
0x2e: {  	s3 =	simm.s32 @!p0 $0x1082;
	s9 =	sld [smem:$0x3FB5]  }
0x2f: {  	lr =	sadd.s32 s0, s3;
	s0 =	sld [smem:$0x3FAC]  }
0x30: {  	s3 =	sld [smem:$0x3FAF]  }
0x31: {  	[smem:$0x3FB8] =	sst s10  }
0x32: {  	s10 =	sld [smem:$0x3FB6];
	_ =	sdelay $0x3  }
0x33: {  	p0 =	seq.s32 s10, $0x1;
	s10 =	sld [smem:$0x3FB8];
	_ =	sdelay $0x3  }
0x34: {  	[smem:$0x3FB8] =	sst s10  }
0x35: {  	s10 =	sld [smem:$0x3FB7];
	_ =	sdelay $0x3  }
0x36: {  	p1 =	seq.s32 s10, $0x1;
	s10 =	sld [smem:$0x3FB8];
	_ =	sdelay $0x3  }
0x37: {  	[smem:$0x3FB8] =	sst s10  }
0x38: {  	s10 =	sld [smem:$0x3FB9]  }
0x39: {  	_ = 	snop;
	(pc) =	sbr.ind lr, $3  }
0x3a: {  	_ = 	snop  }
0x3b: {  	_ = 	snop  }
0x3c: {  	p2 =	seq.s32 s10, $0x1;
	s10 =	sld [smem:$0x3FB8]  }
0x3d: {  	_ =	shalt  }
0x3e: {  	_ =	shalt  }
0x3f: {  	_ =	shalt  }
0x40: {  	_ =	shalt  }
0x41: {  	_ =	shalt  }
0x42: {  	_ =	shalt  }
0x43: {  	_ =	shalt  }
0x44: {  	_ =	shalt  }
0x45: {  	_ =	shalt  }
0x46: {  	_ =	shalt  }
0x47: {  	_ =	shalt  }
0x48: {  	_ =	shalt  }
0x49: {  	_ =	shalt  }
0x4a: {  	_ =	shalt  }
0x4b: {  	_ =	shalt  }
0x4c: {  	_ =	shalt  }
0x4d: {  	_ =	shalt  }
0x4e: {  	_ =	shalt  }
0x4f: {  	_ =	shalt  }
0x50: {  	_ =	shalt  }
0x51: {  	_ =	shalt  }
0x52: {  	_ =	shalt  }
0x53: {  	_ =	shalt  }
0x54: {  	_ =	shalt  }
0x55: {  	_ =	shalt  }
0x56: {  	_ =	shalt  }
0x57: {  	_ =	shalt  }
0x58: {  	_ =	shalt  }
0x59: {  	_ =	shalt  }
0x5a: {  	_ =	shalt  }
0x5b: {  	_ =	shalt  }
0x5c: {  	_ =	shalt  }
0x5d: {  	_ =	shalt  }
0x5e: {  	_ =	shalt  }
0x5f: {  	_ =	shalt  }
0x60: {  	_ =	shalt  }
0x61: {  	_ =	shalt  }
0x62: {  	_ =	shalt  }
0x63: {  	_ =	shalt  }
0x64: {  	_ =	shalt  }
0x65: {  	_ =	shalt  }
0x66: {  	_ =	shalt  }
0x67: {  	_ =	shalt  }
0x68: {  	_ =	shalt  }
0x69: {  	_ =	shalt  }
0x6a: {  	_ =	shalt  }
0x6b: {  	_ =	shalt  }
0x6c: {  	_ =	shalt  }
0x6d: {  	_ =	shalt  }
0x6e: {  	_ =	shalt  }
0x6f: {  	_ =	shalt  }
0x70: {  	_ =	shalt  }
0x71: {  	_ =	shalt  }
0x72: {  	_ =	shalt  }
0x73: {  	_ =	shalt  }
0x74: {  	_ =	shalt  }
0x75: {  	_ =	shalt  }
0x76: {  	_ =	shalt  }
0x77: {  	_ =	shalt  }
0x78: {  	_ =	shalt  }
0x79: {  	_ =	shalt  }
0x7a: {  	_ =	shalt  }
0x7b: {  	_ =	shalt  }
0x7c: {  	_ =	shalt  }
0x7d: {  	_ =	shalt  }
0x7e: {  	_ =	shalt  }
0x7f: {  	_ =	shalt  }
0x80: {  	_ =	shalt  }
0x81: {  	_ =	shalt  }
0x82: {  	_ =	shalt  }
0x83: {  	_ =	shalt  }
0x84: {  	_ =	shalt  }
0x85: {  	_ =	shalt  }
0x86: {  	_ =	shalt  }
0x87: {  	_ =	shalt  }
.Lfunc_end0:
.L_simem_size_0:
called_computation_lowered:
.L_overlay_start_0:
0x88: {  	s2 =	sld [smem:$0x3FD9]  }
0x89: {  	s3 =	sld [smem:$0x3FFE];
	_ =	sdelay $0x1  }
0x8a: {  	s1 =	srdreg.scid  }
0x8b: {  	s0 =	sand.u32 $0x1, s1  }
0x8c: {  	s17 =	sshll.u32 s0, $0xA;
	s2 =	sadd.s32 s3, s2  }
0x8d: {  	s2 =	sadd.s32 s2, s17  }
0x8e: {  	[smem:$0x3FC4] =	sst s2  }
0x8f: {  	_ = 	snop  }
0x90: {  	s2 =	sld [smem:$0x3FC9]  }
0x91: {  	s18 =	sld [smem:$0x3FD0];
	(tm) =	ssettm $0x1  }
0x92: {  	s4 =	sld [smem:$0x3FFB];
	_ =	sdelay $0x3  }
0x93: {  	_ =	strace s4  }
0x94: {  	s4 =	sld [smem:$0x3FFC];
	_ =	sdelay $0x3  }
0x95: {  	_ =	strace s4  }
0x96: {  	s4 =	sld [smem:$0x3FFD];
	_ =	sdelay $0x3  }
0x97: {  	_ =	strace s4  }
0x98: {  	_ =	strace $0x8FFFFFFF  }
0x99: {  	s19 =	sld [smem:$0x3FDB];
	_ =	sdelay $0x1  }
0x9a: {  	s5 =	simm.s32 $_scs_section_size  }
0x9b: {  	s6 =	simm.s32 $_size__tile_overlayer_lowered;
	s7 =	simm.s32 $_tile_overlayer_lowered  }
0x9c: {  	s22 =	simm.s32 $0x1BFF;
	s21 =	sshll.u32 s7, $0x1;
	s4 =	sadd.s32 s5, s19  }
0x9d: {  	s8 =	simm.s32 $0x0;
	s20 =	sshll.u32 s6, $0x1;
	s6 =	sadd.s32 s21, s4  }
0x9e: {  	[timem:s8], [sflag:s22] =	dma.local [hbm:s6], s20  }
0x9f: {  	_ =	swait.ge [sflag:s22], s20  }
0xa0: {  	s5 =	ssub.s32 $0x0, s20;
	[sflag:s22] =	ssyncset.done $0x0  }
0xa1: {  	[sflag:s22] =	ssyncadd.s32 s5;
	_ =	sdelay $0x1  }
0xa2: {  	s23 =	simm.s32 $0x1B8B  }
0xa3: {  	_ =	swait.ge [sflag:s23], $0x1  }
0xa4: {  	[sflag:s23] =	ssyncset.done $0x0  }
0xa5: {  	s25 =	simm.s32 $0x1B8E;
	s24 =	sld [smem:$0x3FFE];
	[sflag:s23] =	ssyncadd.s32 $0xFFFFFFFF  }
0xa6: {  	s26 =	simm.s32 $execute0_lowered;
	[smem:$0x3FD2] =	sst s25  }
0xa7: {  	s6 =	sshll.u32 s26, $0x1;
	_ =	strace $0x80000046;
	[dreg:$0x1] =	wrdreg $0xFFFFFFFF  }
0xa8: {  	s28 =	simm.s32 $_size_execute0_lowered;
	s4 =	sadd.s32 s4, s6;
	[dreg:$0x0] =	wrdreg $0x0  }
0xa9: {  	s6 =	sshll.u32 s28, $0x1;
	[dreg:$0x2] =	wrdreg s4  }
0xaa: {  	[dreg:$0x3] =	wrdreg s6  }
0xab: {  	[dreg:$0x4] =	wrdreg $0xC0  }
0xac: {  	_ =	task [dreg:s8], $0x5FFFF  }
0xad: {  	[dreg:$0x1] =	wrdreg $0xFFFFFFFF  }
0xae: {  	[dreg:$0x0] =	wrdreg $0x60  }
0xaf: {  	[dreg:$0x2] =	wrdreg s2  }
0xb0: {  	[dreg:$0x3] =	wrdreg s18  }
0xb1: {  	[dreg:$0x4] =	wrdreg s24  }
0xb2: {  	[dreg:$0x5] =	wrdreg $0x22000  }
0xb3: {  	[dreg:$0x6] =	wrdreg $0x9  }
0xb4: {  	_ =	task.clear_ibuf [dreg:s8], $0x7FFFF;
	_ =	strace $0x90000046  }
0xb5: {  	s29 =	simm.s32 $0x9;
	_ =	strace $0x80000048  }
0xb6: {  	_ =	swait.ge [sflag:s29], $0x1  }
0xb7: {  	[sflag:s29] =	ssyncadd.s32 $0xFFFFFFFF  }
0xb8: {  	_ =	strace $0x90000048  }
0xb9: {  	_ =	sfence  }
0xba: {  	s30 =	sld [smem:$0x0];
	_ =	sdelay $0x2  }
0xbb: {  	s31 =	sshll.u32 s1, $0xD;
	s1 =	sshrl.u32 s1, $0x2  }
0xbc: {  	s3 =	sand.u32 $0x4000, s31;
	s1 =	sadd.s32 s1, s30  }
0xbd: {  	s0 =	sor.u32 s3, s0;
	s1 =	sshll.u32 s1, $0x11  }
0xbe: {  	s0 =	sor.u32 s1, s0  }
0xbf: {  	s0 =	sadd.s32 $0x8F2B, s0  }
0xc0: {  	[sflag:s0] =	ssyncadd.remote.s32 $0x1  }
0xc1: {  	_ =	sfence.sel $0xFFFF  }
0xc2: {  	[dreg:$0x0] =	wrdreg $0xFFFFFFFF;
	(pc) =	sbr.abs _section_cstart, $3  }
0xc3: {  	[dreg:$0x1] =	wrdreg $0xFFFFFFFF  }
0xc4: {  	_ =	task.clear_ibuf [dreg:s8], $0x2FFFF;
	_ =	strace $0x9FFFFFFF  }
0xc5: {  	(tm) =	ssettm $0x7FFFFFFF  }
tec
execute0_lowered:
.L_overlay_start_1:
0x0: {  	(tag) =	ssettag $0x1  }
0x1: {  	s2 =	srdreg.scid;
	s0 =	stileid.u32  }
0x2: {  	s5 =	sand.u32 $0x1, s2;
	s8 =	sshll.u32 s0, $0x1  }
0x3: {  	s8 =	sor.u32 s5, s8  }
0x4: {  	s1 =	rddreg [dreg:$0x0];
	p0 =	sgt.u32 s8, $0x18  }
.Ltmp0:
0x5: {  	s7 =	rddreg [dreg:$0x1];
	(pc) =	sbr.rel @p0 .LBB2_7-.Ltmp0, $4  }
0x6: {  	s6 =	rddreg [dreg:$0x2]  }
0x7: {  	s3 =	rddreg [dreg:$0x3];
	s4 =	simm.s32 $0x0  }
0x8: {  	[smem:$0x7FF] =	sst s4  }
0x9: {  	s2 =	rddreg [dreg:$0x4];
	_ =	strace $0x80000047  }
0xa: {  	s9 =	ssub.s32 $0x2, s5;
	s15 =	sshll.u32 s0, $0xD;
	v0 =	vlaneseq.u32;
	s8 =	sshll.u32 s8, $0x3  }
0xb: {  	s11 =	simm.s32 $0x80;
	s12 =	simm.s32 $0x180;
	s13 =	simm.s32 $0x1;
	v1 =	vmul.u32 $0x80, v0  }
0xc: {  	s14 =	simm.s32 $0x2;
	s16 =	simm.s32 $0x2180;
	s17 =	simm.s32 $0x0  }
0xd: {  	s10 =	sshrl.u32 s9, $0x1;
	s5 =	sadd.s32 s15, s3;
	s6 =	sadd.s32 s6, s8;
	v0 =	vor.u32 s15, v1  }
0xe: {  	s7 =	sadd.s32 s7, s8;
	s9 =	ssub.s32 s9, s10;
	s10 =	simm.s32 $0x40;
	v2 =	vor.u32 $0x800, v1;
	v3 =	vor.u32 $0x1000, v1;
	v4 =	vor.u32 $0x1800, v1  }
0xf: {  	s8 =	smax.u32 s9, $0x1;
	s9 =	simm.s32 $0x3;
	v1 =	vor.u32 s15, v2;
	v2 =	vor.u32 s15, v3;
	v3 =	vor.u32 s15, v4;
	s15 =	simm.s32 $0x100  }
.LBB2_2:
0x10: {  	s18 =	simm.s32 $0x0  }
0x11: {  	[tilespmem:s18], [sflag:$0x3] =	stream.linear.gather [hbm4b:s7+s18], $0x40, $0x38;
	[tilespmem:$0x4200] =	vst v63  }
0x12: {  	_ =	swait.ge [sflag:s9], $0x40  }
0x13: {  	[sflag:s9] =	ssyncset.done $0x0  }
0x14: {  	[sflag:s9] =	ssyncadd.s32 $0xFFFFFFC0  }
0x15: {  	v4 =	vld [tilespmem:$0x0]  }
0x16: {  	v5 =	vld [tilespmem:$0x10]  }
0x17: {  	v49 =	vld [tilespmem:$0x20];
	_ =	sdelay $0x1  }
0x18: {  	v52 =	vld [tilespmem:$0x30]  }
0x19: {  	v6 =	vshra.s32 v4, $0xB;
	v7 =	vshrl.u32 v4, $0x8;
	v8 =	vshrl.u32 v4, $0xA  }
0x1a: {  	v4 =	vshrl.u32 v4, $0x1;
	v50 =	vshra.s32 v5, $0xB;
	v9 =	vshrl.u32 v5, $0x8  }
0x1b: {  	v10 =	vshrl.u32 v5, $0xA;
	v5 =	vshrl.u32 v5, $0x1;
	v53 =	vshra.s32 v49, $0xB  }
0x1c: {  	v11 =	vshrl.u32 v49, $0x8;
	v54 =	vshrl.u32 v49, $0xA;
	v55 =	vshrl.u32 v49, $0x1  }
0x1d: {  	v58 =	vshra.s32 v52, $0xB;
	v59 =	vshrl.u32 v52, $0x8;
	v63 =	vshrl.u32 v52, $0xA  }
0x1e: {  	v6 =	vand.u32 $0x1FFFFFFC, v6;
	v7 =	vand.u32 $0x3, v7;
	v48 =	vand.u32 $0x7, v8  }
0x1f: {  	v4 =	vand.u32 $0x7F, v4;
	v9 =	vand.u32 $0x3, v9;
	v51 =	vand.u32 $0x7, v10  }
0x20: {  	v5 =	vand.u32 $0x7F, v5;
	v11 =	vand.u32 $0x3, v11;
	v57 =	vand.u32 $0x7, v54  }
0x21: {  	v60 =	vand.u32 $0x1FFFFFFC, v58;
	v61 =	vand.u32 $0x3, v59;
	v6 =	vor.u32 v7, v6  }
0x22: {  	v7 =	vand.u32 $0x1FFFFFFC, v50;
	v4 =	vor.u32 v4, v0;
	v5 =	vor.u32 v5, v1  }
0x23: {  	v6 =	vshll.u32 v6, $0x3;
	v7 =	vor.u32 v9, v7;
	v9 =	vand.u32 $0x1FFFFFFC, v53;
	[tilespmem:$0x100] =	vst v4  }
0x24: {  	[tilespmem:$0x110] =	vst v5;
	v6 =	vor.u32 v48, v6;
	v7 =	vshll.u32 v7, $0x3;
	v9 =	vor.u32 v11, v9  }
0x25: {  	v7 =	vor.u32 v51, v7;
	[tilespmem:$0x80] =	vst v6;
	v56 =	vshll.u32 v9, $0x3;
	v6 =	vand.u32 $0x7F, v55  }
0x26: {  	v62 =	vor.u32 v61, v60;
	v4 =	vor.u32 v57, v56;
	[tilespmem:$0x90] =	vst v7;
	v5 =	vor.u32 v6, v2  }
0x27: {  	v6 =	vshll.u32 v62, $0x3;
	v7 =	vand.u32 $0x7, v63;
	[tilespmem:$0xA0] =	vst v4;
	v4 =	vshrl.u32 v52, $0x1  }
0x28: {  	[tilespmem:$0x120] =	vst v5;
	v5 =	vor.u32 v7, v6;
	v4 =	vand.u32 $0x7F, v4  }
0x29: {  	[tilespmem:$0xB0] =	vst v5;
	v4 =	vor.u32 v4, v3  }
0x2a: {  	[tilespmem:$0x130] =	vst v4  }
0x2b: {  	[tilespmem:s12], [sflag:$0x1] =	stream.indirect.gather [hbm4b:s1+s10], $0x80, s11, s10, $0xb8;
	[tilespmem:$0x4200] =	vst v63  }
0x2c: {  	_ =	swait.ge [sflag:s13], $0x2000  }
0x2d: {  	[sflag:s13] =	ssyncset.done $0x0  }
0x2e: {  	[sflag:s13] =	ssyncadd.s32 $0xFFFFE000  }
.LBB2_3:
0x2f: {  	p0 =	sne.s32 s18, $0x7E00  }
.Ltmp1:
0x30: {  	_ = 	snop;
	(pc) =	sbr.rel @p0 .LBB2_3-.Ltmp1, $4  }
0x31: {  	_ = 	snop  }
0x32: {  	s19 =	sshra.s32 s18, $0x2  }
0x33: {  	s18 =	sadd.s32 $0x200, s18;
	s20 =	sadd.s32 s19, s5;
	s19 =	sadd.s32 $0x180, s19  }
0x34: {  	[spmem:s20] =	stream.linear.scatter [tilespmem:s19], [sflag:$0x2], $0x80, $0x38;
	[tilespmem:$0x4200] =	vst v63  }
0x35: {  	_ =	swait.ge [sflag:s14], $0x80  }
0x36: {  	s18 =	simm.s32 $0x3F;
	[sflag:s14] =	ssyncset.done $0x0  }
.LBB2_5:
0x37: {  	p0 =	sne.s32 s18, $0x1;
	s18 =	sadd.s32 $0xFFFFFFFF, s18;
	[sflag:s14] =	ssyncadd.s32 $0xFFFFFF80  }
.Ltmp2:
0x38: {  	(pc) =	sbr.rel @p0 .LBB2_5-.Ltmp2, $3  }
0x39: {  	_ =	sdelay $0x1  }
0x3a: {  	_ =	swait.ge [sflag:s14], $0x80  }
0x3b: {  	[sflag:s14] =	ssyncset.done $0x0  }
0x3c: {  	[sflag:s14] =	ssyncadd.s32 $0xFFFFFF80  }
0x3d: {  	[tilespmem:s16], [sflag:$0x1] =	stream.indirect.gather [spmem:s3], $0x1, s15, s10, $0xb8;
	[tilespmem:$0x4200] =	vst v63  }
0x3e: {  	_ =	swait.ge [sflag:s13], $0x40  }
0x3f: {  	[sflag:s13] =	ssyncset.done $0x0  }
0x40: {  	[sflag:s13] =	ssyncadd.s32 $0xFFFFFFC0  }
0x41: {  	v4 =	vld [tilespmem:$0x0]  }
0x42: {  	v5 =	vld [tilespmem:$0x2180]  }
0x43: {  	v6 =	vld [tilespmem:$0x10]  }
0x44: {  	v7 =	vld [tilespmem:$0x2190]  }
0x45: {  	v8 =	vld [tilespmem:$0x20]  }
0x46: {  	v9 =	vld [tilespmem:$0x30]  }
0x47: {  	v10 =	vld [tilespmem:$0x21A0]  }
0x48: {  	v11 =	vld [tilespmem:$0x21B0];
	v4 =	vand.u32 $0x1, v4  }
0x49: {  	vm0 =	veq.s32 v4, $0x0;
	v4 =	vand.u32 $0x1, v6  }
0x4a: {  	v5 =	vnsel vm0, $0x0, v5;
	vm13 =	veq.s32 v4, $0x0;
	v4 =	vand.u32 $0x1, v8  }
0x4b: {  	[tilespmem:$0x2180] =	vst v5;
	v5 =	vnsel vm13, $0x0, v7;
	vm14 =	veq.s32 v4, $0x0;
	v4 =	vand.u32 $0x1, v9  }
0x4c: {  	s17 =	sadd.s32 $0x1, s17;
	[tilespmem:$0x2190] =	vst v5;
	v5 =	vnsel vm14, $0x0, v10;
	vm15 =	veq.s32 v4, $0x0  }
0x4d: {  	p0 =	sne.s32 s17, s8;
	[tilespmem:$0x21A0] =	vst v5;
	v4 =	vnsel vm15, $0x0, v11  }
.Ltmp3:
0x4e: {  	[tilespmem:$0x21B0] =	vst v4;
	(pc) =	sbr.rel @p0 .LBB2_2-.Ltmp3, $4  }
0x4f: {  	[hbm4b:s6+s4] =	stream.linear.scatter [tilespmem:s16], [sflag:$0x3], $0x40, $0x38;
	[tilespmem:$0x4200] =	vst v63  }
0x50: {  	_ =	swait.ge [sflag:s9], $0x40  }
0x51: {  	[sflag:s9] =	ssyncset.done $0x0  }
0x52: {  	[sflag:s9] =	ssyncadd.s32 $0xFFFFFFC0  }
.LBB2_7:
0x53: {  	_ =	sfence.sel $0x180000  }
0x54: {  	[bflag:$0x0] =	sbarrier.arrive $0xFFFF  }
0x55: {  	p0 =	sne.s32 s0, $0x0;
	_ =	strace $0x90000047  }
0x56: {  	s0 =	sadd.s32 @!p0 $0x100000, s2;
	[bflag:$0x2] =	sbarrier.arrive $0xFFFF  }
0x57: {  	[sflag:s0] =	ssyncadd.tile.s32 @!p0 $0x1;
	_ =	shalt  }
.Lfunc_end2:
_tile_overlayer_lowered:
.L_overlay_start_2:
0x58: {  	(tag) =	ssettag $0x2  }
0x59: {  	s0 =	rddreg [dreg:$0x0];
	s2 =	stileid.u32  }
0x5a: {  	s1 =	rddreg [dreg:$0x1];
	p0 =	sne.s32 s2, $0x0  }
0x5b: {  	s3 =	rddreg [dreg:$0x2];
	[bflag:$0x3] =	sbarrier.arrive $0xFFFF;
	s2 =	simm.s32 @!p0 $0x1C03  }
0x5c: {  	[timem:s3], [sflag:s2] =	dma.local @!p0 [hbm:s0], s1  }
0x5d: {  	s0 =	simm.s32 @!p0 $0x3  }
0x5e: {  	_ =	swait.ge @!p0 [sflag:s0], s1  }
0x5f: {  	s1 =	ssub.s32 @!p0 $0x0, s1;
	[sflag:s0] =	ssyncset.done @!p0 $0x0  }
0x60: {  	[sflag:s0] =	ssyncadd.s32 @!p0 s1  }
0x61: {  	[bflag:$0x3] =	sbarrier.arrive $0xFFFF  }
0x62: {  	_ =	shalt  }

</sc_bundles>
